<compile_context>
chip_gen: v7x
topology: tpu7x:2x2x1
jax: 0.10.2.dev20260603
libtpu: 0.0.44.dev20260713+nightly
codegen_flags: <defaults>
</compile_context>

<pallas_src>
import functools

import jax
import jax.numpy as jnp
import numpy as np
from jax.experimental import pallas as pl
from jax.experimental.pallas import tpu as pltpu
from jax.experimental.pallas import tpu_sc as plsc

E = 64
K = 2
H = 768
INTER = 768
T = 64
F2 = 2 * INTER

_BIG = 1e30


@functools.cache
def _compress_matrix():
    s = np.zeros((F2, INTER), dtype=np.float32)
    s[2 * np.arange(INTER), np.arange(INTER)] = 1.0
    return jnp.asarray(s)


def _fiota(shape, dim):
    return jax.lax.broadcasted_iota(jnp.int32, shape, dim).astype(jnp.float32)


def _routing_body(x_ref, rw_ref, rb_ref, info_ref, elist_ref):
    x = x_ref[:, 0, :]
    rw = rw_ref[...]
    logits = jax.lax.dot_general(
        x, rw, (((1,), (1,)), ((), ())), preferred_element_type=jnp.float32)
    logits = logits + rb_ref[...]

    lane_f = _fiota((T, E), 1)

    m1 = jnp.max(logits, axis=1, keepdims=True)
    i1 = jnp.min(jnp.where(logits == m1, lane_f, _BIG), axis=1, keepdims=True)
    sel1 = lane_f == i1
    masked = jnp.where(sel1, -_BIG, logits)
    m2 = jnp.max(masked, axis=1, keepdims=True)
    i2 = jnp.min(jnp.where(masked == m2, lane_f, _BIG), axis=1, keepdims=True)
    sel2 = lane_f == i2

    e2 = jnp.exp(m2 - m1)
    w1 = 1.0 / (1.0 + e2)
    w2 = e2 / (1.0 + e2)
    info_ref[:, 0:1] = i1
    info_ref[:, 1:2] = i2
    info_ref[:, 2:3] = w1
    info_ref[:, 3:4] = w2
    info_ref[:, 4:16] = jnp.zeros((T, 12), jnp.float32)

    selected = jnp.logical_or(sel1, sel2).astype(jnp.float32)
    count = jnp.sum(selected, axis=0, keepdims=True)
    a = (count > 0.0).astype(jnp.float32)

    r = _fiota((E, E), 0)
    c = _fiota((E, E), 1)
    lower = (r <= c).astype(jnp.float32)
    cum = jax.lax.dot_general(
        a, lower, (((1,), (0,)), ((), ())), preferred_element_type=jnp.float32)
    nact = cum[:, E - 1:E]
    cum_i = jax.lax.dot_general(
        1.0 - a, lower, (((1,), (0,)), ((), ())),
        preferred_element_type=jnp.float32)
    pos = jnp.where(a > 0.0, cum - 1.0, nact + cum_i - 1.0)

    ident = (r == c).astype(jnp.float32)
    pos_col = jax.lax.dot_general(
        ident, pos, (((1,), (1,)), ((), ())), preferred_element_type=jnp.float32)
    a_col = jax.lax.dot_general(
        ident, a, (((1,), (1,)), ((), ())), preferred_element_type=jnp.float32)

    e_row = _fiota((1, E), 1)
    last_active = jnp.sum(
        jnp.where(jnp.logical_and(a > 0.0, pos == nact - 1.0), e_row, 0.0),
        axis=1, keepdims=True)

    e_sub = _fiota((E, E), 0)
    p_lane = _fiota((E, E), 1)
    ind = jnp.logical_and(pos_col == p_lane, a_col > 0.0)
    elist_active = jnp.sum(jnp.where(ind, e_sub, 0.0), axis=0, keepdims=True)
    p_row = _fiota((1, E), 1)
    elist = jnp.where(p_row < nact, elist_active, last_active)
    elist_ref[...] = elist.astype(jnp.int32)


def _sc_scatter_body(info_hbm, scores_hbm, info_v, sc_v):
    cid = jax.lax.axis_index("c")
    sid = jax.lax.axis_index("s")
    nv = E // 16

    @pl.when(jnp.logical_and(cid == 0, sid == 0))
    def _():
        pltpu.sync_copy(info_hbm, info_v)
        zero16 = jnp.zeros((16,), jnp.float32)
        iota_f = jax.lax.broadcasted_iota(jnp.int32, (16,), 0).astype(
            jnp.float32)

        def token(t, carry):
            row = info_v[t, pl.ds(0, 16)]
            i1 = row[0]
            i2 = row[1]
            w1 = row[2]
            w2 = row[3]
            for j in range(nv):
                idxs = iota_f + float(16 * j)
                z = jnp.where(idxs == i1, w1,
                              jnp.where(idxs == i2, w2, zero16))
                sc_v[t, pl.ds(16 * j, 16)] = z
            return carry

        jax.lax.fori_loop(0, T, token, 0)
        pltpu.sync_copy(sc_v, scores_hbm)


def _expert_body(el_ref, x_ref, info_ref, wgu_ref, bgu_ref, wd_ref, bd_ref,
                 s_ref, out_ref):
    i = pl.program_id(0)
    e = el_ref[0, i]
    prev = el_ref[0, jnp.maximum(i - 1, 0)]
    valid = jnp.logical_or(i == 0, e != prev)

    @pl.when(valid)
    def _():
        x = x_ref[:, 0, :]
        gu = jax.lax.dot_general(
            x, wgu_ref[0], (((1,), (0,)), ((), ())),
            preferred_element_type=jnp.float32)
        gu = gu + bgu_ref[pl.ds(e, 1), :]
        lane = jax.lax.broadcasted_iota(jnp.int32, (T, F2), 1)
        even = (lane & 1) == 0
        up_sh = pltpu.roll(gu, F2 - 1, 1)
        gate = jnp.minimum(gu, 7.0)
        up = jnp.clip(up_sh, -7.0, 7.0)
        glu = gate * jax.nn.sigmoid(gate * 1.702)
        act2 = jnp.where(even, (up + 1.0) * glu, 0.0)
        act = jax.lax.dot_general(
            act2, s_ref[...], (((1,), (0,)), ((), ())),
            preferred_element_type=jnp.float32)
        oute = jax.lax.dot_general(
            act, wd_ref[0], (((1,), (0,)), ((), ())),
            preferred_element_type=jnp.float32)
        oute = oute + bd_ref[pl.ds(e, 1), :]
        e_f = e.astype(jnp.float32)
        sel1 = (info_ref[:, 0:1] == e_f).astype(jnp.float32)
        sel2 = (info_ref[:, 1:2] == e_f).astype(jnp.float32)
        col = info_ref[:, 2:3] * sel1 + info_ref[:, 3:4] * sel2
        contrib = (oute * col).reshape(T, 1, H)

        @pl.when(i == 0)
        def _():
            out_ref[...] = contrib

        @pl.when(i > 0)
        def _():
            out_ref[...] += contrib


@jax.jit
def kernel(hidden_states, router_weight, router_bias, gate_up_proj,
           gate_up_proj_bias, down_proj, down_proj_bias):
    b, s, h = hidden_states.shape

    info, elist = pl.pallas_call(
        _routing_body,
        out_shape=(
            jax.ShapeDtypeStruct((T, 16), jnp.float32),
            jax.ShapeDtypeStruct((1, E), jnp.int32),
        ),
    )(hidden_states, router_weight, router_bias.reshape(1, E))

    grid_spec = pltpu.PrefetchScalarGridSpec(
        num_scalar_prefetch=1,
        grid=(E,),
        in_specs=[
            pl.BlockSpec((T, 1, H), lambda i, el: (0, 0, 0)),
            pl.BlockSpec((T, 16), lambda i, el: (0, 0)),
            pl.BlockSpec((1, H, F2), lambda i, el: (el[0, i], 0, 0)),
            pl.BlockSpec((E, F2), lambda i, el: (0, 0)),
            pl.BlockSpec((1, INTER, H), lambda i, el: (el[0, i], 0, 0)),
            pl.BlockSpec((E, H), lambda i, el: (0, 0)),
            pl.BlockSpec((F2, INTER), lambda i, el: (0, 0)),
        ],
        out_specs=pl.BlockSpec((T, 1, H), lambda i, el: (0, 0, 0)),
    )
    out = pl.pallas_call(
        _expert_body,
        grid_spec=grid_spec,
        out_shape=jax.ShapeDtypeStruct((T, 1, H), jnp.float32),
        compiler_params=pltpu.CompilerParams(
            dimension_semantics=("arbitrary",)),
    )(elist, hidden_states, info, gate_up_proj,
      gate_up_proj_bias, down_proj,
      down_proj_bias, _compress_matrix())

    scores = pl.kernel(
        _sc_scatter_body,
        out_type=jax.ShapeDtypeStruct((T, E), jnp.float32),
        mesh=plsc.VectorSubcoreMesh(core_axis_name="c", subcore_axis_name="s"),
        scratch_types=[
            pltpu.VMEM((T, 16), jnp.float32),
            pltpu.VMEM((T, E), jnp.float32),
        ],
    )(info)

    return out, scores

# --- scband reference (transcript-rebuilt; emitter-appended) ---
"""Pipeline reference for scband-a2a-sparse-mlp-35983236006083 (READ-ONLY COPY).

The authoritative reference and input builder live on the scoring server;
editing this copy changes nothing except your own understanding.
"""

import jax, jax.numpy as jnp
import numpy as np

E = 64
K = 2
H = 768
INTER = 768
B = 64
S = 1


def setup_inputs(seed: int = 0) -> dict:
    key = jax.random.key(seed)
    ks = jax.random.split(key, 6)
    hidden_states = jax.random.normal(ks[0], (B, S, H), dtype=jnp.float32)
    router_weight = jax.random.normal(ks[1], (E, H), dtype=jnp.float32) * 0.02
    router_bias = jnp.zeros((E,), dtype=jnp.float32)
    gate_up_proj = jax.random.normal(ks[2], (E, H, 2 * INTER), dtype=jnp.float32) * 0.02
    gate_up_proj_bias = jnp.zeros((E, 2 * INTER), dtype=jnp.float32)
    down_proj = jax.random.normal(ks[3], (E, INTER, H), dtype=jnp.float32) * 0.02
    down_proj_bias = jnp.zeros((E, H), dtype=jnp.float32)
    return {
        'hidden_states': hidden_states,
        'router_weight': router_weight,
        'router_bias': router_bias,
        'gate_up_proj': gate_up_proj,
        'gate_up_proj_bias': gate_up_proj_bias,
        'down_proj': down_proj,
        'down_proj_bias': down_proj_bias,
    }


def reference(hidden_states, router_weight, router_bias, gate_up_proj,
              gate_up_proj_bias, down_proj, down_proj_bias):
    # A2aSparseMLP forward (CPU path: dispatch/combine are no-ops on 1 device):
    #   router_scores, router_indices = router(x)
    #   routed_out = experts(x, router_indices, routing_weights=router_scores)
    #   return routed_out, router_scores
    b, s, h = hidden_states.shape
    t = b * s
    x = hidden_states.reshape(t, h)

    # Router: linear -> top-k -> softmax over selected -> scatter into [T, E]
    logits = x @ router_weight.T + router_bias
    top_vals, top_idx = jax.lax.top_k(logits, K)
    top_w = jax.nn.softmax(top_vals, axis=-1)
    router_scores = jnp.zeros((t, E), dtype=x.dtype).at[
        jnp.arange(t)[:, None], top_idx].set(top_w)

    # Experts: fused gate_up projection per expert (dense-masked reference)
    gate_up = jnp.einsum('th,ehf->tef', x, gate_up_proj) + gate_up_proj_bias[None, :, :]
    # _moe_activation, activation_type='gpt_oss', interleaved=True
    gate = gate_up[..., ::2]
    up = gate_up[..., 1::2]
    gate = jnp.minimum(gate, 7.0)
    up = jnp.clip(up, -7.0, 7.0)
    glu = gate * jax.nn.sigmoid(gate * 1.702)
    act = (up + 1.0) * glu  # [T, E, INTER]

    out_e = jnp.einsum('tei,eih->teh', act, down_proj) + down_proj_bias[None, :, :]
    routed = jnp.sum(out_e * router_scores[:, :, None], axis=1)  # [T, H]
    routed_out = routed.reshape(b, s, h)
    return routed_out, router_scores

if __name__ == "__main__":
    import jax
    _d = setup_inputs()
    print(jax.jit(kernel)(*tuple(_d.values())))

</pallas_src>

<mosaic_0001>
#map = affine_map<(d0, d1) -> (0, 0)>
module attributes {stable_mosaic.version = 14 : i64} {
  func.func @_sc_scatter_body(%arg0: i32, %arg1: i32, %arg2: memref<64x16xf32, #tpu.memory_space<hbm>>, %arg3: memref<64x64xf32, #tpu.memory_space<hbm>>, %arg4: memref<64x16xf32, #tpu.memory_space<vmem>>, %arg5: memref<64x64xf32, #tpu.memory_space<vmem>>) attributes {dimension_semantics = [#tpu.dimension_semantics<core_parallel>, #tpu.dimension_semantics<subcore_parallel>], iteration_bounds = array<i64: 2, 16>, scalar_prefetch = 0 : i64, scratch_operands = 2 : i64, tpu.core_type = #tpu.core_type<sc_vector_subcore>, window_params = [{transform_indices = #map}, {transform_indices = #map}]} {
    %eq3A = arith.constant 0 : i32
    %eq3A_0 = arith.cmpi eq, %arg0, %eq3A : i32
    %eq3A_1 = arith.constant 0 : i32
    %eq3A_2 = arith.cmpi eq, %arg1, %eq3A_1 : i32
    %and3A = arith.andi %eq3A_0, %eq3A_2 : i1
    %convert_element_type3A = arith.extui %and3A : i1 to i32
    %cond3A = arith.constant 0 : i32
    %cond3A_3 = arith.cmpi ne, %convert_element_type3A, %cond3A : i32
    scf.if %cond3A_3 {
      "tpu.region"() ({
        %run_scoped3A = tpu.sem_alloc : memref<!tpu.dma_semaphore, #tpu.memory_space<semaphore_mem>>
        tpu.enqueue_dma source(%arg2 : memref<64x16xf32, #tpu.memory_space<hbm>>) target(%arg4 : memref<64x16xf32, #tpu.memory_space<vmem>>) target_semaphore(%run_scoped3A : memref<!tpu.dma_semaphore, #tpu.memory_space<semaphore_mem>>)
        tpu.wait_dma2 semaphore(%run_scoped3A : memref<!tpu.dma_semaphore, #tpu.memory_space<semaphore_mem>>) src(%arg2 : memref<64x16xf32, #tpu.memory_space<hbm>>) dst(%arg4 : memref<64x16xf32, #tpu.memory_space<vmem>>)
        tpu.yield
      }) : () -> ()
      %broadcast_in_dim3A = arith.constant 0.000000e+00 : f32
      %broadcast_in_dim3A_4 = vector.broadcast %broadcast_in_dim3A : f32 to vector<16xf32>
      %iota3A = tpu.iota {dimensions = array<i32: 0>} : vector<16xi32>
      %convert_element_type3A_5 = arith.sitofp %iota3A : vector<16xi32> to vector<16xf32>
      %scan3A = arith.constant 0 : i32
      %scan3A_6 = arith.constant 0 : i32
      %scan3A_7 = arith.constant 64 : i32
      %scan3A_8 = arith.addi %scan3A_6, %scan3A_7 : i32
      %scan3A_9 = arith.constant 1 : i32
      scf.for %scan3A_11 = %scan3A_6 to %scan3A_8 step %scan3A_9  : i32 {
        %get3A = arith.index_cast %scan3A_11 : i32 to index
        %get3A_12 = arith.constant 0 : index
        %get3A_13 = tpu.vector_load %arg4[%get3A, %get3A_12] {strides = array<i32>} : memref<64x16xf32, #tpu.memory_space<vmem>>, vector<1x16xf32>,
        %get3A_14 = vector.shape_cast %get3A_13 : vector<1x16xf32> to vector<16xf32>
        %slice3A = vector.extract_strided_slice %get3A_14 {offsets = [0], sizes = [1], strides = [1]} : vector<16xf32> to vector<1xf32>
        %squeeze3A = vector.extract %slice3A[0] : f32 from vector<1xf32>
        %slice3A_15 = vector.extract_strided_slice %get3A_14 {offsets = [1], sizes = [1], strides = [1]} : vector<16xf32> to vector<1xf32>
        %squeeze3A_16 = vector.extract %slice3A_15[0] : f32 from vector<1xf32>
        %slice3A_17 = vector.extract_strided_slice %get3A_14 {offsets = [2], sizes = [1], strides = [1]} : vector<16xf32> to vector<1xf32>
        %squeeze3A_18 = vector.extract %slice3A_17[0] : f32 from vector<1xf32>
        %slice3A_19 = vector.extract_strided_slice %get3A_14 {offsets = [3], sizes = [1], strides = [1]} : vector<16xf32> to vector<1xf32>
        %squeeze3A_20 = vector.extract %slice3A_19[0] : f32 from vector<1xf32>
        %add3A = arith.constant 0.000000e+00 : f32
        %add3A_21 = vector.broadcast %add3A : f32 to vector<16xf32>
        %add3A_22 = arith.addf %convert_element_type3A_5, %add3A_21 : vector<16xf32>
        %eq3A_23 = vector.broadcast %squeeze3A : f32 to vector<16xf32>
        %eq3A_24 = arith.cmpf oeq, %add3A_22, %eq3A_23 : vector<16xf32>
        %eq3A_25 = vector.broadcast %squeeze3A_16 : f32 to vector<16xf32>
        %eq3A_26 = arith.cmpf oeq, %add3A_22, %eq3A_25 : vector<16xf32>
        %broadcast_in_dim3A_27 = vector.broadcast %squeeze3A_20 : f32 to vector<16xf32>
        %select_n3A = arith.select %eq3A_26, %broadcast_in_dim3A_27, %broadcast_in_dim3A_4 : vector<16xi1>, vector<16xf32>
        %broadcast_in_dim3A_28 = vector.broadcast %squeeze3A_18 : f32 to vector<16xf32>
        %select_n3A_29 = arith.select %eq3A_24, %broadcast_in_dim3A_28, %select_n3A : vector<16xi1>, vector<16xf32>
        %swap3A = arith.index_cast %scan3A_11 : i32 to index
        %swap3A_30 = arith.constant 0 : index
        %swap3A_31 = tpu.vector_load %arg5[%swap3A, %swap3A_30] {strides = array<i32>} : memref<64x64xf32, #tpu.memory_space<vmem>>, vector<1x16xf32>,
        %swap3A_32 = vector.shape_cast %swap3A_31 : vector<1x16xf32> to vector<16xf32>
        %swap3A_33 = vector.shape_cast %select_n3A_29 : vector<16xf32> to vector<1x16xf32>
        tpu.vector_store %arg5[%swap3A, %swap3A_30], %swap3A_33 {strides = array<i32>} : memref<64x64xf32, #tpu.memory_space<vmem>>, vector<1x16xf32>,
        %add3A_34 = arith.constant 1.600000e+01 : f32
        %add3A_35 = vector.broadcast %add3A_34 : f32 to vector<16xf32>
        %add3A_36 = arith.addf %convert_element_type3A_5, %add3A_35 : vector<16xf32>
        %eq3A_37 = vector.broadcast %squeeze3A : f32 to vector<16xf32>
        %eq3A_38 = arith.cmpf oeq, %add3A_36, %eq3A_37 : vector<16xf32>
        %eq3A_39 = vector.broadcast %squeeze3A_16 : f32 to vector<16xf32>
        %eq3A_40 = arith.cmpf oeq, %add3A_36, %eq3A_39 : vector<16xf32>
        %broadcast_in_dim3A_41 = vector.broadcast %squeeze3A_20 : f32 to vector<16xf32>
        %select_n3A_42 = arith.select %eq3A_40, %broadcast_in_dim3A_41, %broadcast_in_dim3A_4 : vector<16xi1>, vector<16xf32>
        %broadcast_in_dim3A_43 = vector.broadcast %squeeze3A_18 : f32 to vector<16xf32>
        %select_n3A_44 = arith.select %eq3A_38, %broadcast_in_dim3A_43, %select_n3A_42 : vector<16xi1>, vector<16xf32>
        %swap3A_45 = arith.index_cast %scan3A_11 : i32 to index
        %swap3A_46 = arith.constant 16 : index
        %swap3A_47 = tpu.vector_load %arg5[%swap3A_45, %swap3A_46] {strides = array<i32>} : memref<64x64xf32, #tpu.memory_space<vmem>>, vector<1x16xf32>,
        %swap3A_48 = vector.shape_cast %swap3A_47 : vector<1x16xf32> to vector<16xf32>
        %swap3A_49 = vector.shape_cast %select_n3A_44 : vector<16xf32> to vector<1x16xf32>
        tpu.vector_store %arg5[%swap3A_45, %swap3A_46], %swap3A_49 {strides = array<i32>} : memref<64x64xf32, #tpu.memory_space<vmem>>, vector<1x16xf32>,
        %add3A_50 = arith.constant 3.200000e+01 : f32
        %add3A_51 = vector.broadcast %add3A_50 : f32 to vector<16xf32>
        %add3A_52 = arith.addf %convert_element_type3A_5, %add3A_51 : vector<16xf32>
        %eq3A_53 = vector.broadcast %squeeze3A : f32 to vector<16xf32>
        %eq3A_54 = arith.cmpf oeq, %add3A_52, %eq3A_53 : vector<16xf32>
        %eq3A_55 = vector.broadcast %squeeze3A_16 : f32 to vector<16xf32>
        %eq3A_56 = arith.cmpf oeq, %add3A_52, %eq3A_55 : vector<16xf32>
        %broadcast_in_dim3A_57 = vector.broadcast %squeeze3A_20 : f32 to vector<16xf32>
        %select_n3A_58 = arith.select %eq3A_56, %broadcast_in_dim3A_57, %broadcast_in_dim3A_4 : vector<16xi1>, vector<16xf32>
        %broadcast_in_dim3A_59 = vector.broadcast %squeeze3A_18 : f32 to vector<16xf32>
        %select_n3A_60 = arith.select %eq3A_54, %broadcast_in_dim3A_59, %select_n3A_58 : vector<16xi1>, vector<16xf32>
        %swap3A_61 = arith.index_cast %scan3A_11 : i32 to index
        %swap3A_62 = arith.constant 32 : index
        %swap3A_63 = tpu.vector_load %arg5[%swap3A_61, %swap3A_62] {strides = array<i32>} : memref<64x64xf32, #tpu.memory_space<vmem>>, vector<1x16xf32>,
        %swap3A_64 = vector.shape_cast %swap3A_63 : vector<1x16xf32> to vector<16xf32>
        %swap3A_65 = vector.shape_cast %select_n3A_60 : vector<16xf32> to vector<1x16xf32>
        tpu.vector_store %arg5[%swap3A_61, %swap3A_62], %swap3A_65 {strides = array<i32>} : memref<64x64xf32, #tpu.memory_space<vmem>>, vector<1x16xf32>,
        %add3A_66 = arith.constant 4.800000e+01 : f32
        %add3A_67 = vector.broadcast %add3A_66 : f32 to vector<16xf32>
        %add3A_68 = arith.addf %convert_element_type3A_5, %add3A_67 : vector<16xf32>
        %eq3A_69 = vector.broadcast %squeeze3A : f32 to vector<16xf32>
        %eq3A_70 = arith.cmpf oeq, %add3A_68, %eq3A_69 : vector<16xf32>
        %eq3A_71 = vector.broadcast %squeeze3A_16 : f32 to vector<16xf32>
        %eq3A_72 = arith.cmpf oeq, %add3A_68, %eq3A_71 : vector<16xf32>
        %broadcast_in_dim3A_73 = vector.broadcast %squeeze3A_20 : f32 to vector<16xf32>
        %select_n3A_74 = arith.select %eq3A_72, %broadcast_in_dim3A_73, %broadcast_in_dim3A_4 : vector<16xi1>, vector<16xf32>
        %broadcast_in_dim3A_75 = vector.broadcast %squeeze3A_18 : f32 to vector<16xf32>
        %select_n3A_76 = arith.select %eq3A_70, %broadcast_in_dim3A_75, %select_n3A_74 : vector<16xi1>, vector<16xf32>
        %swap3A_77 = arith.index_cast %scan3A_11 : i32 to index
        %swap3A_78 = arith.constant 48 : index
        %swap3A_79 = tpu.vector_load %arg5[%swap3A_77, %swap3A_78] {strides = array<i32>} : memref<64x64xf32, #tpu.memory_space<vmem>>, vector<1x16xf32>,
        %swap3A_80 = vector.shape_cast %swap3A_79 : vector<1x16xf32> to vector<16xf32>
        %swap3A_81 = vector.shape_cast %select_n3A_76 : vector<16xf32> to vector<1x16xf32>
        tpu.vector_store %arg5[%swap3A_77, %swap3A_78], %swap3A_81 {strides = array<i32>} : memref<64x64xf32, #tpu.memory_space<vmem>>, vector<1x16xf32>,
      }
      %scan3A_10 = arith.constant 64 : i32
      "tpu.region"() ({
        %run_scoped3A = tpu.sem_alloc : memref<!tpu.dma_semaphore, #tpu.memory_space<semaphore_mem>>
        tpu.enqueue_dma source(%arg5 : memref<64x64xf32, #tpu.memory_space<vmem>>) target(%arg3 : memref<64x64xf32, #tpu.memory_space<hbm>>) target_semaphore(%run_scoped3A : memref<!tpu.dma_semaphore, #tpu.memory_space<semaphore_mem>>)
        tpu.wait_dma2 semaphore(%run_scoped3A : memref<!tpu.dma_semaphore, #tpu.memory_space<semaphore_mem>>) src(%arg5 : memref<64x64xf32, #tpu.memory_space<vmem>>) dst(%arg3 : memref<64x64xf32, #tpu.memory_space<hbm>>)
        tpu.yield
      }) : () -> ()
    } else {
    }
    return
  }
}

module attributes {stable_mosaic.version = 14 : i64} {
  func.func @_routing_body(%arg0: memref<64x1x768xf32, #tpu.memory_space<vmem>>, %arg1: memref<64x768xf32, #tpu.memory_space<vmem>>, %arg2: memref<1x64xf32, #tpu.memory_space<vmem>>, %arg3: memref<64x16xf32, #tpu.memory_space<vmem>>, %arg4: memref<1x64xi32, #tpu.memory_space<vmem>>) attributes {dimension_semantics = [], scalar_prefetch = 0 : i64, scratch_operands = 0 : i64, tpu.core_type = #tpu.core_type<tc>} {
    %get3A = arith.constant 0 : index
    %get3A_0 = arith.constant 0 : index
    %get3A_1 = arith.constant 0 : index
    %get3A_2 = vector.load %arg0[%get3A, %get3A_0, %get3A_1] : memref<64x1x768xf32, #tpu.memory_space<vmem>>, vector<64x1x768xf32>
    %get3A_3 = vector.shape_cast %get3A_2 : vector<64x1x768xf32> to vector<64x768xf32>
    %get3A_4 = arith.constant 0 : index
    %get3A_5 = arith.constant 0 : index
    %get3A_6 = vector.load %arg1[%get3A_4, %get3A_5] : memref<64x768xf32, #tpu.memory_space<vmem>>, vector<64x768xf32>
    %dot_general3A = arith.constant dense<0.000000e+00> : vector<64x64xf32>
    %dot_general3A_7 = tpu.matmul %get3A_3, %get3A_6, %dot_general3A {dimension_numbers = #tpu.dot_dimension_numbers<[1], [1], [0], [0], [0, 0, 1, 0], [], []>, transpose_lhs_hint = false} : vector<64x768xf32>, vector<64x768xf32>, vector<64x64xf32> -> vector<64x64xf32>
    %get3A_8 = arith.constant 0 : index
    %get3A_9 = arith.constant 0 : index
    %get3A_10 = vector.load %arg2[%get3A_8, %get3A_9] : memref<1x64xf32, #tpu.memory_space<vmem>>, vector<1x64xf32>
    %add3A = vector.broadcast %get3A_10 : vector<1x64xf32> to vector<64x64xf32>
    %add3A_11 = arith.addf %dot_general3A_7, %add3A : vector<64x64xf32>
    %iota3A = tpu.iota {dimensions = array<i32: 1>} : vector<64x64xi32>
    %convert_element_type3A = arith.sitofp %iota3A : vector<64x64xi32> to vector<64x64xf32>
    %reduce_max3A = arith.constant dense<0xFF800000> : vector<64xf32>
    %reduce_max3A_12 = vector.multi_reduction <maximumf>, %add3A_11, %reduce_max3A [1] : vector<64x64xf32> to vector<64xf32>
    %broadcast_in_dim3A = vector.shape_cast %reduce_max3A_12 : vector<64xf32> to vector<64x1xf32>
    %eq3A = vector.broadcast %broadcast_in_dim3A : vector<64x1xf32> to vector<64x64xf32>
    %eq3A_13 = arith.cmpf oeq, %add3A_11, %eq3A : vector<64x64xf32>
    %jit3A = arith.constant 1.000000e+30 : f32
    %broadcast_in_dim3A_14 = vector.broadcast %jit3A : f32 to vector<64x64xf32>
    %select_n3A = arith.select %eq3A_13, %convert_element_type3A, %broadcast_in_dim3A_14 : vector<64x64xi1>, vector<64x64xf32>
    %reduce_min3A = arith.constant dense<0x7F800000> : vector<64xf32>
    %reduce_min3A_15 = vector.multi_reduction <minimumf>, %select_n3A, %reduce_min3A [1] : vector<64x64xf32> to vector<64xf32>
    %broadcast_in_dim3A_16 = vector.shape_cast %reduce_min3A_15 : vector<64xf32> to vector<64x1xf32>
    %eq3A_17 = vector.broadcast %broadcast_in_dim3A_16 : vector<64x1xf32> to vector<64x64xf32>
    %eq3A_18 = arith.cmpf oeq, %convert_element_type3A, %eq3A_17 : vector<64x64xf32>
    %jit3A_19 = arith.constant -1.000000e+30 : f32
    %broadcast_in_dim3A_20 = vector.broadcast %jit3A_19 : f32 to vector<64x64xf32>
    %select_n3A_21 = arith.select %eq3A_18, %broadcast_in_dim3A_20, %add3A_11 : vector<64x64xi1>, vector<64x64xf32>
    %reduce_max3A_22 = arith.constant dense<0xFF800000> : vector<64xf32>
    %reduce_max3A_23 = vector.multi_reduction <maximumf>, %select_n3A_21, %reduce_max3A_22 [1] : vector<64x64xf32> to vector<64xf32>
    %broadcast_in_dim3A_24 = vector.shape_cast %reduce_max3A_23 : vector<64xf32> to vector<64x1xf32>
    %eq3A_25 = vector.broadcast %broadcast_in_dim3A_24 : vector<64x1xf32> to vector<64x64xf32>
    %eq3A_26 = arith.cmpf oeq, %select_n3A_21, %eq3A_25 : vector<64x64xf32>
    %jit3A_27 = arith.constant 1.000000e+30 : f32
    %broadcast_in_dim3A_28 = vector.broadcast %jit3A_27 : f32 to vector<64x64xf32>
    %select_n3A_29 = arith.select %eq3A_26, %convert_element_type3A, %broadcast_in_dim3A_28 : vector<64x64xi1>, vector<64x64xf32>
    %reduce_min3A_30 = arith.constant dense<0x7F800000> : vector<64xf32>
    %reduce_min3A_31 = vector.multi_reduction <minimumf>, %select_n3A_29, %reduce_min3A_30 [1] : vector<64x64xf32> to vector<64xf32>
    %broadcast_in_dim3A_32 = vector.shape_cast %reduce_min3A_31 : vector<64xf32> to vector<64x1xf32>
    %eq3A_33 = vector.broadcast %broadcast_in_dim3A_32 : vector<64x1xf32> to vector<64x64xf32>
    %eq3A_34 = arith.cmpf oeq, %convert_element_type3A, %eq3A_33 : vector<64x64xf32>
    %sub3A = arith.subf %broadcast_in_dim3A_24, %broadcast_in_dim3A : vector<64x1xf32>
    %exp3A = math.exp %sub3A : vector<64x1xf32>
    %add3A_35 = arith.constant 1.000000e+00 : f32
    %add3A_36 = vector.broadcast %add3A_35 : f32 to vector<64x1xf32>
    %add3A_37 = arith.addf %add3A_36, %exp3A : vector<64x1xf32>
    %div3A = arith.constant 1.000000e+00 : f32
    %div3A_38 = vector.broadcast %div3A : f32 to vector<64x1xf32>
    %div3A_39 = arith.divf %div3A_38, %add3A_37 : vector<64x1xf32>
    %add3A_40 = arith.constant 1.000000e+00 : f32
    %add3A_41 = vector.broadcast %add3A_40 : f32 to vector<64x1xf32>
    %add3A_42 = arith.addf %add3A_41, %exp3A : vector<64x1xf32>
    %div3A_43 = arith.divf %exp3A, %add3A_42 : vector<64x1xf32>
    %swap3A = arith.constant 0 : index
    %swap3A_44 = arith.constant 0 : index
    %swap3A_45 = vector.load %arg3[%swap3A, %swap3A_44] : memref<64x16xf32, #tpu.memory_space<vmem>>, vector<64x1xf32>
    tpu.vector_store %arg3[%swap3A, %swap3A_44], %broadcast_in_dim3A_16 {strides = array<i32>} : memref<64x16xf32, #tpu.memory_space<vmem>>, vector<64x1xf32>,
    %swap3A_46 = arith.constant 0 : index
    %swap3A_47 = arith.constant 1 : index
    %swap3A_48 = vector.load %arg3[%swap3A_46, %swap3A_47] : memref<64x16xf32, #tpu.memory_space<vmem>>, vector<64x1xf32>
    tpu.vector_store %arg3[%swap3A_46, %swap3A_47], %broadcast_in_dim3A_32 {strides = array<i32>} : memref<64x16xf32, #tpu.memory_space<vmem>>, vector<64x1xf32>,
    %swap3A_49 = arith.constant 0 : index
    %swap3A_50 = arith.constant 2 : index
    %swap3A_51 = vector.load %arg3[%swap3A_49, %swap3A_50] : memref<64x16xf32, #tpu.memory_space<vmem>>, vector<64x1xf32>
    tpu.vector_store %arg3[%swap3A_49, %swap3A_50], %div3A_39 {strides = array<i32>} : memref<64x16xf32, #tpu.memory_space<vmem>>, vector<64x1xf32>,
    %swap3A_52 = arith.constant 0 : index
    %swap3A_53 = arith.constant 3 : index
    %swap3A_54 = vector.load %arg3[%swap3A_52, %swap3A_53] : memref<64x16xf32, #tpu.memory_space<vmem>>, vector<64x1xf32>
    tpu.vector_store %arg3[%swap3A_52, %swap3A_53], %div3A_43 {strides = array<i32>} : memref<64x16xf32, #tpu.memory_space<vmem>>, vector<64x1xf32>,
    %broadcast_in_dim3A_55 = arith.constant 0.000000e+00 : f32
    %broadcast_in_dim3A_56 = vector.broadcast %broadcast_in_dim3A_55 : f32 to vector<64x12xf32>
    %swap3A_57 = arith.constant 0 : index
    %swap3A_58 = arith.constant 4 : index
    %swap3A_59 = vector.load %arg3[%swap3A_57, %swap3A_58] : memref<64x16xf32, #tpu.memory_space<vmem>>, vector<64x12xf32>
    tpu.vector_store %arg3[%swap3A_57, %swap3A_58], %broadcast_in_dim3A_56 {strides = array<i32>} : memref<64x16xf32, #tpu.memory_space<vmem>>, vector<64x12xf32>,
    %or3A = arith.ori %eq3A_18, %eq3A_34 : vector<64x64xi1>
    %convert_element_type3A_60 = arith.extui %or3A : vector<64x64xi1> to vector<64x64xi32>
    %convert_element_type3A_61 = arith.sitofp %convert_element_type3A_60 : vector<64x64xi32> to vector<64x64xf32>
    %reduce_sum3A = arith.constant dense<0.000000e+00> : vector<64xf32>
    %reduce_sum3A_62 = vector.multi_reduction <add>, %convert_element_type3A_61, %reduce_sum3A [0] : vector<64x64xf32> to vector<64xf32>
    %broadcast_in_dim3A_63 = vector.shape_cast %reduce_sum3A_62 : vector<64xf32> to vector<1x64xf32>
    %gt3A = arith.constant 0.000000e+00 : f32
    %gt3A_64 = vector.broadcast %gt3A : f32 to vector<1x64xf32>
    %gt3A_65 = arith.cmpf ogt, %broadcast_in_dim3A_63, %gt3A_64 : vector<1x64xf32>
    %convert_element_type3A_66 = arith.extui %gt3A_65 : vector<1x64xi1> to vector<1x64xi32>
    %convert_element_type3A_67 = arith.sitofp %convert_element_type3A_66 : vector<1x64xi32> to vector<1x64xf32>
    %iota3A_68 = tpu.iota {dimensions = array<i32: 0>} : vector<64x64xi32>
    %convert_element_type3A_69 = arith.sitofp %iota3A_68 : vector<64x64xi32> to vector<64x64xf32>
    %iota3A_70 = tpu.iota {dimensions = array<i32: 1>} : vector<64x64xi32>
    %convert_element_type3A_71 = arith.sitofp %iota3A_70 : vector<64x64xi32> to vector<64x64xf32>
    %le3A = arith.cmpf ole, %convert_element_type3A_69, %convert_element_type3A_71 : vector<64x64xf32>
    %convert_element_type3A_72 = arith.extui %le3A : vector<64x64xi1> to vector<64x64xi32>
    %convert_element_type3A_73 = arith.sitofp %convert_element_type3A_72 : vector<64x64xi32> to vector<64x64xf32>
    %dot_general3A_74 = arith.constant dense<0.000000e+00> : vector<1x64xf32>
    %dot_general3A_75 = tpu.matmul %convert_element_type3A_67, %convert_element_type3A_73, %dot_general3A_74 {dimension_numbers = #tpu.dot_dimension_numbers<[1], [0], [0], [1], [0, 0, 1, 1], [], []>, transpose_lhs_hint = false} : vector<1x64xf32>, vector<64x64xf32>, vector<1x64xf32> -> vector<1x64xf32>
    %slice3A = vector.extract_strided_slice %dot_general3A_75 {offsets = [0, 63], sizes = [1, 1], strides = [1, 1]} : vector<1x64xf32> to vector<1x1xf32>
    %sub3A_76 = arith.constant 1.000000e+00 : f32
    %sub3A_77 = vector.broadcast %sub3A_76 : f32 to vector<1x64xf32>
    %sub3A_78 = arith.subf %sub3A_77, %convert_element_type3A_67 : vector<1x64xf32>
    %dot_general3A_79 = arith.constant dense<0.000000e+00> : vector<1x64xf32>
    %dot_general3A_80 = tpu.matmul %sub3A_78, %convert_element_type3A_73, %dot_general3A_79 {dimension_numbers = #tpu.dot_dimension_numbers<[1], [0], [0], [1], [0, 0, 1, 1], [], []>, transpose_lhs_hint = false} : vector<1x64xf32>, vector<64x64xf32>, vector<1x64xf32> -> vector<1x64xf32>
    %gt3A_81 = arith.constant 0.000000e+00 : f32
    %gt3A_82 = vector.broadcast %gt3A_81 : f32 to vector<1x64xf32>
    %gt3A_83 = arith.cmpf ogt, %convert_element_type3A_67, %gt3A_82 : vector<1x64xf32>
    %sub3A_84 = arith.constant 1.000000e+00 : f32
    %sub3A_85 = vector.broadcast %sub3A_84 : f32 to vector<1x64xf32>
    %sub3A_86 = arith.subf %dot_general3A_75, %sub3A_85 : vector<1x64xf32>
    %add3A_87 = vector.broadcast %slice3A : vector<1x1xf32> to vector<1x64xf32>
    %add3A_88 = arith.addf %add3A_87, %dot_general3A_80 : vector<1x64xf32>
    %sub3A_89 = arith.constant 1.000000e+00 : f32
    %sub3A_90 = vector.broadcast %sub3A_89 : f32 to vector<1x64xf32>
    %sub3A_91 = arith.subf %add3A_88, %sub3A_90 : vector<1x64xf32>
    %select_n3A_92 = arith.select %gt3A_83, %sub3A_86, %sub3A_91 : vector<1x64xi1>, vector<1x64xf32>
    %eq3A_93 = arith.cmpf oeq, %convert_element_type3A_69, %convert_element_type3A_71 : vector<64x64xf32>
    %convert_element_type3A_94 = arith.extui %eq3A_93 : vector<64x64xi1> to vector<64x64xi32>
    %convert_element_type3A_95 = arith.sitofp %convert_element_type3A_94 : vector<64x64xi32> to vector<64x64xf32>
    %dot_general3A_96 = arith.constant dense<0.000000e+00> : vector<64x1xf32>
    %dot_general3A_97 = tpu.matmul %convert_element_type3A_95, %select_n3A_92, %dot_general3A_96 {dimension_numbers = #tpu.dot_dimension_numbers<[1], [1], [0], [0], [0, 0, 1, 0], [], []>, transpose_lhs_hint = false} : vector<64x64xf32>, vector<1x64xf32>, vector<64x1xf32> -> vector<64x1xf32>
    %dot_general3A_98 = arith.constant dense<0.000000e+00> : vector<64x1xf32>
    %dot_general3A_99 = tpu.matmul %convert_element_type3A_95, %convert_element_type3A_67, %dot_general3A_98 {dimension_numbers = #tpu.dot_dimension_numbers<[1], [1], [0], [0], [0, 0, 1, 0], [], []>, transpose_lhs_hint = false} : vector<64x64xf32>, vector<1x64xf32>, vector<64x1xf32> -> vector<64x1xf32>
    %iota3A_100 = tpu.iota {dimensions = array<i32: 1>} : vector<1x64xi32>
    %convert_element_type3A_101 = arith.sitofp %iota3A_100 : vector<1x64xi32> to vector<1x64xf32>
    %gt3A_102 = arith.constant 0.000000e+00 : f32
    %gt3A_103 = vector.broadcast %gt3A_102 : f32 to vector<1x64xf32>
    %gt3A_104 = arith.cmpf ogt, %convert_element_type3A_67, %gt3A_103 : vector<1x64xf32>
    %sub3A_105 = arith.constant 1.000000e+00 : f32
    %sub3A_106 = vector.broadcast %sub3A_105 : f32 to vector<1x1xf32>
    %sub3A_107 = arith.subf %slice3A, %sub3A_106 : vector<1x1xf32>
    %eq3A_108 = vector.broadcast %sub3A_107 : vector<1x1xf32> to vector<1x64xf32>
    %eq3A_109 = arith.cmpf oeq, %select_n3A_92, %eq3A_108 : vector<1x64xf32>
    %and3A = arith.andi %gt3A_104, %eq3A_109 : vector<1x64xi1>
    %jit3A_110 = arith.constant 0.000000e+00 : f32
    %broadcast_in_dim3A_111 = vector.broadcast %jit3A_110 : f32 to vector<1x64xf32>
    %select_n3A_112 = arith.select %and3A, %convert_element_type3A_101, %broadcast_in_dim3A_111 : vector<1x64xi1>, vector<1x64xf32>
    %reduce_sum3A_113 = arith.constant dense<0.000000e+00> : vector<1xf32>
    %reduce_sum3A_114 = vector.multi_reduction <add>, %select_n3A_112, %reduce_sum3A_113 [1] : vector<1x64xf32> to vector<1xf32>
    %broadcast_in_dim3A_115 = vector.shape_cast %reduce_sum3A_114 : vector<1xf32> to vector<1x1xf32>
    %iota3A_116 = tpu.iota {dimensions = array<i32: 0>} : vector<64x64xi32>
    %convert_element_type3A_117 = arith.sitofp %iota3A_116 : vector<64x64xi32> to vector<64x64xf32>
    %iota3A_118 = tpu.iota {dimensions = array<i32: 1>} : vector<64x64xi32>
    %convert_element_type3A_119 = arith.sitofp %iota3A_118 : vector<64x64xi32> to vector<64x64xf32>
    %eq3A_120 = vector.broadcast %dot_general3A_97 : vector<64x1xf32> to vector<64x64xf32>
    %eq3A_121 = arith.cmpf oeq, %eq3A_120, %convert_element_type3A_119 : vector<64x64xf32>
    %gt3A_122 = arith.constant 0.000000e+00 : f32
    %gt3A_123 = vector.broadcast %gt3A_122 : f32 to vector<64x1xf32>
    %gt3A_124 = arith.cmpf ogt, %dot_general3A_99, %gt3A_123 : vector<64x1xf32>
    %and3A_125 = vector.broadcast %gt3A_124 : vector<64x1xi1> to vector<64x64xi1>
    %and3A_126 = arith.andi %eq3A_121, %and3A_125 : vector<64x64xi1>
    %jit3A_127 = arith.constant 0.000000e+00 : f32
    %broadcast_in_dim3A_128 = vector.broadcast %jit3A_127 : f32 to vector<64x64xf32>
    %select_n3A_129 = arith.select %and3A_126, %convert_element_type3A_117, %broadcast_in_dim3A_128 : vector<64x64xi1>, vector<64x64xf32>
    %reduce_sum3A_130 = arith.constant dense<0.000000e+00> : vector<64xf32>
    %reduce_sum3A_131 = vector.multi_reduction <add>, %select_n3A_129, %reduce_sum3A_130 [0] : vector<64x64xf32> to vector<64xf32>
    %broadcast_in_dim3A_132 = vector.shape_cast %reduce_sum3A_131 : vector<64xf32> to vector<1x64xf32>
    %iota3A_133 = tpu.iota {dimensions = array<i32: 1>} : vector<1x64xi32>
    %convert_element_type3A_134 = arith.sitofp %iota3A_133 : vector<1x64xi32> to vector<1x64xf32>
    %lt3A = vector.broadcast %slice3A : vector<1x1xf32> to vector<1x64xf32>
    %lt3A_135 = arith.cmpf olt, %convert_element_type3A_134, %lt3A : vector<1x64xf32>
    %broadcast_in_dim3A_136 = vector.shape_cast %broadcast_in_dim3A_115 : vector<1x1xf32> to vector<1x1xf32>
    %broadcast_in_dim3A_137 = vector.broadcast %broadcast_in_dim3A_136 : vector<1x1xf32> to vector<1x64xf32>
    %select_n3A_138 = arith.select %lt3A_135, %broadcast_in_dim3A_132, %broadcast_in_dim3A_137 : vector<1x64xi1>, vector<1x64xf32>
    %convert_element_type3A_139 = arith.fptosi %select_n3A_138 : vector<1x64xf32> to vector<1x64xi32>
    %swap3A_140 = arith.constant 0 : index
    %swap3A_141 = arith.constant 0 : index
    %swap3A_142 = vector.load %arg4[%swap3A_140, %swap3A_141] : memref<1x64xi32, #tpu.memory_space<vmem>>, vector<1x64xi32>
    tpu.vector_store %arg4[%swap3A_140, %swap3A_141], %convert_element_type3A_139 {strides = array<i32>} : memref<1x64xi32, #tpu.memory_space<vmem>>, vector<1x64xi32>,
    return
  }
}

module attributes {stable_mosaic.version = 14 : i64} {
  func.func @_expert_body(%arg0: i32, %arg1: memref<1x64xi32, #tpu.memory_space<smem>>, %arg2: memref<64x1x768xf32, #tpu.memory_space<vmem>>, %arg3: memref<64x16xf32, #tpu.memory_space<vmem>>, %arg4: memref<1x768x1536xf32, #tpu.memory_space<vmem>>, %arg5: memref<64x1536xf32, #tpu.memory_space<vmem>>, %arg6: memref<1x768x768xf32, #tpu.memory_space<vmem>>, %arg7: memref<64x768xf32, #tpu.memory_space<vmem>>, %arg8: memref<1536x768xf32, #tpu.memory_space<vmem>>, %arg9: memref<64x1x768xf32, #tpu.memory_space<vmem>>) attributes {dimension_semantics = [#tpu.dimension_semantics<arbitrary>], iteration_bounds = array<i64: 64>, scalar_prefetch = 1 : i64, scratch_operands = 0 : i64, tpu.core_type = #tpu.core_type<tc>, window_params = [{pipeline_mode = #tpu.pipeline_mode<synchronous>, transform_indices = @transform_0, window_bounds = array<i64: 64, 1, 768>}, {pipeline_mode = #tpu.pipeline_mode<synchronous>, transform_indices = @transform_1, window_bounds = array<i64: 64, 16>}, {transform_indices = @transform_2, window_bounds = array<i64: 1, 768, 1536>}, {pipeline_mode = #tpu.pipeline_mode<synchronous>, transform_indices = @transform_3, window_bounds = array<i64: 64, 1536>}, {transform_indices = @transform_4, window_bounds = array<i64: 1, 768, 768>}, {pipeline_mode = #tpu.pipeline_mode<synchronous>, transform_indices = @transform_5, window_bounds = array<i64: 64, 768>}, {pipeline_mode = #tpu.pipeline_mode<synchronous>, transform_indices = @transform_6, window_bounds = array<i64: 1536, 768>}, {pipeline_mode = #tpu.pipeline_mode<synchronous>, transform_indices = @transform_7, window_bounds = array<i64: 64, 1, 768>}]} {
    %get3A = arith.constant 0 : index
    %get3A_0 = arith.index_cast %arg0 : i32 to index
    %get3A_1 = memref.load %arg1[%get3A, %get3A_0] : memref<1x64xi32, #tpu.memory_space<smem>>
    %sub3A = arith.constant 1 : i32
    %sub3A_2 = arith.subi %arg0, %sub3A : i32
    %max3A = arith.constant 0 : i32
    %max3A_3 = arith.maxsi %sub3A_2, %max3A : i32
    %get3A_4 = arith.constant 0 : index
    %get3A_5 = arith.index_cast %max3A_3 : i32 to index
    %get3A_6 = memref.load %arg1[%get3A_4, %get3A_5] : memref<1x64xi32, #tpu.memory_space<smem>>
    %eq3A = arith.constant 0 : i32
    %eq3A_7 = arith.cmpi eq, %arg0, %eq3A : i32
    %ne3A = arith.cmpi ne, %get3A_1, %get3A_6 : i32
    %or3A = arith.ori %eq3A_7, %ne3A : i1
    %convert_element_type3A = arith.extui %or3A : i1 to i32
    %cond3A = arith.constant 0 : i32
    %cond3A_8 = arith.cmpi ne, %convert_element_type3A, %cond3A : i32
    scf.if %cond3A_8 {
      %get3A_9 = arith.constant 0 : index
      %get3A_10 = arith.constant 0 : index
      %get3A_11 = arith.constant 0 : index
      %get3A_12 = vector.load %arg2[%get3A_9, %get3A_10, %get3A_11] : memref<64x1x768xf32, #tpu.memory_space<vmem>>, vector<64x1x768xf32>
      %get3A_13 = vector.shape_cast %get3A_12 : vector<64x1x768xf32> to vector<64x768xf32>
      %get3A_14 = arith.constant 0 : index
      %get3A_15 = arith.constant 0 : index
      %get3A_16 = arith.constant 0 : index
      %get3A_17 = vector.load %arg4[%get3A_14, %get3A_15, %get3A_16] : memref<1x768x1536xf32, #tpu.memory_space<vmem>>, vector<1x768x1536xf32>
      %get3A_18 = vector.shape_cast %get3A_17 : vector<1x768x1536xf32> to vector<768x1536xf32>
      %dot_general3A = arith.constant dense<0.000000e+00> : vector<64x1536xf32>
      %dot_general3A_19 = tpu.matmul %get3A_13, %get3A_18, %dot_general3A {dimension_numbers = #tpu.dot_dimension_numbers<[1], [0], [0], [1], [0, 0, 1, 1], [], []>, transpose_lhs_hint = false} : vector<64x768xf32>, vector<768x1536xf32>, vector<64x1536xf32> -> vector<64x1536xf32>
      %get3A_20 = arith.index_cast %get3A_1 : i32 to index
      %get3A_21 = arith.constant 0 : index
      %get3A_22 = vector.load %arg5[%get3A_20, %get3A_21] : memref<64x1536xf32, #tpu.memory_space<vmem>>, vector<1x1536xf32>
      %add3A = vector.broadcast %get3A_22 : vector<1x1536xf32> to vector<64x1536xf32>
      %add3A_23 = arith.addf %dot_general3A_19, %add3A : vector<64x1536xf32>
      %iota3A = tpu.iota {dimensions = array<i32: 1>} : vector<64x1536xi32>
      %and3A = arith.constant 1 : i32
      %and3A_24 = vector.broadcast %and3A : i32 to vector<64x1536xi32>
      %and3A_25 = arith.andi %iota3A, %and3A_24 : vector<64x1536xi32>
      %eq3A_26 = arith.constant 0 : i32
      %eq3A_27 = vector.broadcast %eq3A_26 : i32 to vector<64x1536xi32>
      %eq3A_28 = arith.cmpi eq, %and3A_25, %eq3A_27 : vector<64x1536xi32>
      %roll3A = arith.constant 1535 : i32
      %roll3A_29 = tpu.dynamic_rotate %add3A_23 by %roll3A dim 1 : vector<64x1536xf32>, i32 -> vector<64x1536xf32>
      %min3A = arith.constant 7.000000e+00 : f32
      %min3A_30 = vector.broadcast %min3A : f32 to vector<64x1536xf32>
      %min3A_31 = arith.minimumf %add3A_23, %min3A_30 : vector<64x1536xf32>
      %jit3A = arith.constant -7.000000e+00 : f32
      %jit3A_32 = arith.constant 7.000000e+00 : f32
      %max3A_33 = vector.broadcast %jit3A : f32 to vector<64x1536xf32>
      %max3A_34 = arith.maximumf %max3A_33, %roll3A_29 : vector<64x1536xf32>
      %min3A_35 = vector.broadcast %jit3A_32 : f32 to vector<64x1536xf32>
      %min3A_36 = arith.minimumf %min3A_35, %max3A_34 : vector<64x1536xf32>
      %mul3A = arith.constant 1.702000e+00 : f32
      %mul3A_37 = vector.broadcast %mul3A : f32 to vector<64x1536xf32>
      %mul3A_38 = arith.mulf %min3A_31, %mul3A_37 : vector<64x1536xf32>
      %logistic3A = arith.negf %mul3A_38 : vector<64x1536xf32>
      %logistic3A_39 = math.exp %logistic3A : vector<64x1536xf32>
      %logistic3A_40 = arith.constant 1.000000e+00 : f32
      %logistic3A_41 = vector.broadcast %logistic3A_40 : f32 to vector<64x1536xf32>
      %logistic3A_42 = arith.addf %logistic3A_41, %logistic3A_39 : vector<64x1536xf32>
      %logistic3A_43 = arith.divf %logistic3A_41, %logistic3A_42 : vector<64x1536xf32>
      %mul3A_44 = arith.mulf %min3A_31, %logistic3A_43 : vector<64x1536xf32>
      %add3A_45 = arith.constant 1.000000e+00 : f32
      %add3A_46 = vector.broadcast %add3A_45 : f32 to vector<64x1536xf32>
      %add3A_47 = arith.addf %min3A_36, %add3A_46 : vector<64x1536xf32>
      %mul3A_48 = arith.mulf %add3A_47, %mul3A_44 : vector<64x1536xf32>
      %jit3A_49 = arith.constant 0.000000e+00 : f32
      %broadcast_in_dim3A = vector.broadcast %jit3A_49 : f32 to vector<64x1536xf32>
      %select_n3A = arith.select %eq3A_28, %mul3A_48, %broadcast_in_dim3A : vector<64x1536xi1>, vector<64x1536xf32>
      %get3A_50 = arith.constant 0 : index
      %get3A_51 = arith.constant 0 : index
      %get3A_52 = vector.load %arg8[%get3A_50, %get3A_51] : memref<1536x768xf32, #tpu.memory_space<vmem>>, vector<1536x768xf32>
      %dot_general3A_53 = arith.constant dense<0.000000e+00> : vector<64x768xf32>
      %dot_general3A_54 = tpu.matmul %select_n3A, %get3A_52, %dot_general3A_53 {dimension_numbers = #tpu.dot_dimension_numbers<[1], [0], [0], [1], [0, 0, 1, 1], [], []>, transpose_lhs_hint = false} : vector<64x1536xf32>, vector<1536x768xf32>, vector<64x768xf32> -> vector<64x768xf32>
      %get3A_55 = arith.constant 0 : index
      %get3A_56 = arith.constant 0 : index
      %get3A_57 = arith.constant 0 : index
      %get3A_58 = vector.load %arg6[%get3A_55, %get3A_56, %get3A_57] : memref<1x768x768xf32, #tpu.memory_space<vmem>>, vector<1x768x768xf32>
      %get3A_59 = vector.shape_cast %get3A_58 : vector<1x768x768xf32> to vector<768x768xf32>
      %dot_general3A_60 = arith.constant dense<0.000000e+00> : vector<64x768xf32>
      %dot_general3A_61 = tpu.matmul %dot_general3A_54, %get3A_59, %dot_general3A_60 {dimension_numbers = #tpu.dot_dimension_numbers<[1], [0], [0], [1], [0, 0, 1, 1], [], []>, transpose_lhs_hint = false} : vector<64x768xf32>, vector<768x768xf32>, vector<64x768xf32> -> vector<64x768xf32>
      %get3A_62 = arith.index_cast %get3A_1 : i32 to index
      %get3A_63 = arith.constant 0 : index
      %get3A_64 = vector.load %arg7[%get3A_62, %get3A_63] : memref<64x768xf32, #tpu.memory_space<vmem>>, vector<1x768xf32>
      %add3A_65 = vector.broadcast %get3A_64 : vector<1x768xf32> to vector<64x768xf32>
      %add3A_66 = arith.addf %dot_general3A_61, %add3A_65 : vector<64x768xf32>
      %convert_element_type3A_67 = arith.sitofp %get3A_1 : i32 to f32
      %get3A_68 = arith.constant 0 : index
      %get3A_69 = arith.constant 0 : index
      %get3A_70 = vector.load %arg3[%get3A_68, %get3A_69] : memref<64x16xf32, #tpu.memory_space<vmem>>, vector<64x1xf32>
      %eq3A_71 = vector.broadcast %convert_element_type3A_67 : f32 to vector<64x1xf32>
      %eq3A_72 = arith.cmpf oeq, %get3A_70, %eq3A_71 : vector<64x1xf32>
      %convert_element_type3A_73 = arith.extui %eq3A_72 : vector<64x1xi1> to vector<64x1xi32>
      %convert_element_type3A_74 = arith.sitofp %convert_element_type3A_73 : vector<64x1xi32> to vector<64x1xf32>
      %get3A_75 = arith.constant 0 : index
      %get3A_76 = arith.constant 1 : index
      %get3A_77 = vector.load %arg3[%get3A_75, %get3A_76] : memref<64x16xf32, #tpu.memory_space<vmem>>, vector<64x1xf32>
      %eq3A_78 = vector.broadcast %convert_element_type3A_67 : f32 to vector<64x1xf32>
      %eq3A_79 = arith.cmpf oeq, %get3A_77, %eq3A_78 : vector<64x1xf32>
      %convert_element_type3A_80 = arith.extui %eq3A_79 : vector<64x1xi1> to vector<64x1xi32>
      %convert_element_type3A_81 = arith.sitofp %convert_element_type3A_80 : vector<64x1xi32> to vector<64x1xf32>
      %get3A_82 = arith.constant 0 : index
      %get3A_83 = arith.constant 2 : index
      %get3A_84 = vector.load %arg3[%get3A_82, %get3A_83] : memref<64x16xf32, #tpu.memory_space<vmem>>, vector<64x1xf32>
      %mul3A_85 = arith.mulf %get3A_84, %convert_element_type3A_74 : vector<64x1xf32>
      %get3A_86 = arith.constant 0 : index
      %get3A_87 = arith.constant 3 : index
      %get3A_88 = vector.load %arg3[%get3A_86, %get3A_87] : memref<64x16xf32, #tpu.memory_space<vmem>>, vector<64x1xf32>
      %mul3A_89 = arith.mulf %get3A_88, %convert_element_type3A_81 : vector<64x1xf32>
      %add3A_90 = arith.addf %mul3A_85, %mul3A_89 : vector<64x1xf32>
      %mul3A_91 = vector.broadcast %add3A_90 : vector<64x1xf32> to vector<64x768xf32>
      %mul3A_92 = arith.mulf %add3A_66, %mul3A_91 : vector<64x768xf32>
      %reshape3A = vector.shape_cast %mul3A_92 : vector<64x768xf32> to vector<64x1x768xf32>
      %eq3A_93 = arith.constant 0 : i32
      %eq3A_94 = arith.cmpi eq, %arg0, %eq3A_93 : i32
      %convert_element_type3A_95 = arith.extui %eq3A_94 : i1 to i32
      %cond3A_96 = arith.constant 0 : i32
      %cond3A_97 = arith.cmpi ne, %convert_element_type3A_95, %cond3A_96 : i32
      scf.if %cond3A_97 {
        %swap3A = arith.constant 0 : index
        %swap3A_102 = arith.constant 0 : index
        %swap3A_103 = arith.constant 0 : index
        %swap3A_104 = vector.load %arg9[%swap3A, %swap3A_102, %swap3A_103] : memref<64x1x768xf32, #tpu.memory_space<vmem>>, vector<64x1x768xf32>
        tpu.vector_store %arg9[%swap3A, %swap3A_102, %swap3A_103], %reshape3A {strides = array<i32>} : memref<64x1x768xf32, #tpu.memory_space<vmem>>, vector<64x1x768xf32>,
      } else {
      }
      %gt3A = arith.constant 0 : i32
      %gt3A_98 = arith.cmpi sgt, %arg0, %gt3A : i32
      %convert_element_type3A_99 = arith.extui %gt3A_98 : i1 to i32
      %cond3A_100 = arith.constant 0 : i32
      %cond3A_101 = arith.cmpi ne, %convert_element_type3A_99, %cond3A_100 : i32
      scf.if %cond3A_101 {
        %get3A_102 = arith.constant 0 : index
        %get3A_103 = arith.constant 0 : index
        %get3A_104 = arith.constant 0 : index
        %get3A_105 = vector.load %arg9[%get3A_102, %get3A_103, %get3A_104] : memref<64x1x768xf32, #tpu.memory_space<vmem>>, vector<64x1x768xf32>
        %add3A_106 = arith.addf %get3A_105, %reshape3A : vector<64x1x768xf32>
        %swap3A = arith.constant 0 : index
        %swap3A_107 = arith.constant 0 : index
        %swap3A_108 = arith.constant 0 : index
        %swap3A_109 = vector.load %arg9[%swap3A, %swap3A_107, %swap3A_108] : memref<64x1x768xf32, #tpu.memory_space<vmem>>, vector<64x1x768xf32>
        tpu.vector_store %arg9[%swap3A, %swap3A_107, %swap3A_108], %add3A_106 {strides = array<i32>} : memref<64x1x768xf32, #tpu.memory_space<vmem>>, vector<64x1x768xf32>,
      } else {
      }
    } else {
    }
    return
  }
  func.func @transform_0(%arg0: i32, %arg1: memref<1x64xi32, #tpu.memory_space<smem>>) -> (i32, i32, i32) {
    %c0_i32 = arith.constant 0 : i32
    %c0_i32_0 = arith.constant 0 : i32
    %c0_i32_1 = arith.constant 0 : i32
    %c0_i32_2 = arith.constant 0 : i32
    return %c0_i32, %c0_i32_0, %c0_i32_1 : i32, i32, i32
  }
  func.func @transform_1(%arg0: i32, %arg1: memref<1x64xi32, #tpu.memory_space<smem>>) -> (i32, i32) {
    %c0_i32 = arith.constant 0 : i32
    %c0_i32_0 = arith.constant 0 : i32
    %c0_i32_1 = arith.constant 0 : i32
    return %c0_i32, %c0_i32_0 : i32, i32
  }
  func.func @transform_2(%arg0: i32, %arg1: memref<1x64xi32, #tpu.memory_space<smem>>) -> (i32, i32, i32) {
    %get3A = arith.constant 0 : index
    %get3A_0 = arith.index_cast %arg0 : i32 to index
    %get3A_1 = memref.load %arg1[%get3A, %get3A_0] : memref<1x64xi32, #tpu.memory_space<smem>>
    %c0_i32 = arith.constant 0 : i32
    %c0_i32_2 = arith.constant 0 : i32
    %c0_i32_3 = arith.constant 0 : i32
    return %get3A_1, %c0_i32, %c0_i32_2 : i32, i32, i32
  }
  func.func @transform_3(%arg0: i32, %arg1: memref<1x64xi32, #tpu.memory_space<smem>>) -> (i32, i32) {
    %c0_i32 = arith.constant 0 : i32
    %c0_i32_0 = arith.constant 0 : i32
    %c0_i32_1 = arith.constant 0 : i32
    return %c0_i32, %c0_i32_0 : i32, i32
  }
  func.func @transform_4(%arg0: i32, %arg1: memref<1x64xi32, #tpu.memory_space<smem>>) -> (i32, i32, i32) {
    %get3A = arith.constant 0 : index
    %get3A_0 = arith.index_cast %arg0 : i32 to index
    %get3A_1 = memref.load %arg1[%get3A, %get3A_0] : memref<1x64xi32, #tpu.memory_space<smem>>
    %c0_i32 = arith.constant 0 : i32
    %c0_i32_2 = arith.constant 0 : i32
    %c0_i32_3 = arith.constant 0 : i32
    return %get3A_1, %c0_i32, %c0_i32_2 : i32, i32, i32
  }
  func.func @transform_5(%arg0: i32, %arg1: memref<1x64xi32, #tpu.memory_space<smem>>) -> (i32, i32) {
    %c0_i32 = arith.constant 0 : i32
    %c0_i32_0 = arith.constant 0 : i32
    %c0_i32_1 = arith.constant 0 : i32
    return %c0_i32, %c0_i32_0 : i32, i32
  }
  func.func @transform_6(%arg0: i32, %arg1: memref<1x64xi32, #tpu.memory_space<smem>>) -> (i32, i32) {
    %c0_i32 = arith.constant 0 : i32
    %c0_i32_0 = arith.constant 0 : i32
    %c0_i32_1 = arith.constant 0 : i32
    return %c0_i32, %c0_i32_0 : i32, i32
  }
  func.func @transform_7(%arg0: i32, %arg1: memref<1x64xi32, #tpu.memory_space<smem>>) -> (i32, i32, i32) {
    %c0_i32 = arith.constant 0 : i32
    %c0_i32_0 = arith.constant 0 : i32
    %c0_i32_1 = arith.constant 0 : i32
    %c0_i32_2 = arith.constant 0 : i32
    return %c0_i32, %c0_i32_0, %c0_i32_1 : i32, i32, i32
  }
}

</mosaic_0001>

<sc_bundles>
// kernel: kernel.5.cloned.1.call-start
scs
__scs_entry_jumppad:
0x0: {  	(pc) =	sbr.rel $0x88, $3  }
0x1: {  	(tag) =	ssettag $0x0;
	lr =	simm.s32 $0x1  }
0x2: {  	[smem:$0x3F9A] =	sst lr;
	_ =	strace $0xD0000000  }
0x3: {  	_ = 	snop  }
0x4: {  	_ = 	snop  }
0x5: {  	_ = 	snop  }
0x6: {  	_ = 	snop  }
0x7: {  	_ = 	snop  }
__scs_overlays_trampoline_lowered:
0x8: {  	[smem:$0x3FA9] =	sst s0  }
0x9: {  	[smem:$0x3FAA] =	sst s1  }
0xa: {  	[smem:$0x3FAB] =	sst s2  }
0xb: {  	[smem:$0x3FAC] =	sst s3  }
0xc: {  	[smem:$0x3FAD] =	sst s4  }
0xd: {  	[smem:$0x3FAE] =	sst s5  }
0xe: {  	[smem:$0x3FAF] =	sst s6  }
0xf: {  	[smem:$0x3FB0] =	sst s7  }
0x10: {  	[smem:$0x3FB1] =	sst s8  }
0x11: {  	[smem:$0x3FB2] =	sst s9;
	s0 =	simm.s32 @!p0 $0x0  }
0x12: {  	s1 =	sld [smem:$0x3F98];
	s0 =	simm.s32 @p0 $0x1  }
0x13: {  	[smem:$0x3FB3] =	sst s0;
	s0 =	simm.s32 @!p1 $0x0  }
0x14: {  	s2 =	sld [smem:$0x3F97];
	s0 =	simm.s32 @p1 $0x1  }
0x15: {  	[smem:$0x3FB4] =	sst s0;
	s0 =	simm.s32 @!p2 $0x0  }
0x16: {  	s3 =	sld [smem:$0x3FDB];
	s0 =	simm.s32 @p2 $0x1  }
0x17: {  	s4 =	simm.s32 $0x1BF5;
	[smem:$0x3FB6] =	sst s0  }
0x18: {  	s0 =	sld [smem:$0x3F99];
	_ =	swait.ge [sflag:s4], $0x0  }
0x19: {  	s7 =	sld [smem:$0x3F9A]  }
0x1a: {  	s8 =	sadd.s32 $0xFFFFE003, lr  }
0x1b: {  	s9 =	sadd.s32 $0xFFFFFEF7, lr;
	s5 =	simm.s32 $0xFFFFFFFF;
	p2 =	slt.u32 s8, $0xFFFFF086  }
0x1c: {  	p1 =	slt.u32 s9, $0xF7A;
	s5 =	simm.s32 @!p2 $0x0  }
0x1d: {  	s5 =	simm.s32 @p1 $0x1;
	p0 =	seq.s32 s7, s2  }
0x1e: {  	s7 =	smul.u32 @!p0 $0xF7A, s2;
	p2 =	seq.s32 @!p0 s5, $0x0  }
0x1f: {  	s9 =	smul.u32 $0xF7A, s1;
	s8 =	simm.s32 @!p0 $0x1BF5;
	p2 =	por !p2, p0  }
0x20: {  	[sflag:s8] =	ssyncset.s32 @!p0 $0xFFFFF086;
	s6 =	sadd.s32 @!p0 s3, s7;
	s7 =	simm.s32 @!p0 $0x108  }
0x21: {  	s3 =	sadd.s32 s3, s9;
	s6 =	sadd.s32 @!p0 $0x88, s6;
	s7 =	simm.s32 @p2 $0x1082  }
0x22: {  	[simem:s7], [sflag:s8] =	dma.local @!p0 [hbm:s6], $0xF7A  }
0x23: {  	s9 =	sor.u32 $0xD0000000, s2;
	s6 =	simm.s32 $0x108;
	_ =	swait.ge @!p0 [sflag:s8], $0x0  }
0x24: {  	s3 =	sadd.s32 $0x88, s3;
	s6 =	simm.s32 @!p1 $0x1082;
	[sflag:s4] =	ssyncset.s32 $0xFFFFF086  }
0x25: {  	[simem:s6], [sflag:s4] =	dma.local [hbm:s3], $0xF7A  }
0x26: {  	[smem:$0x3F9A] =	sst s1;
	(tag) =	ssettag s2;
	_ =	strace s9  }
0x27: {  	s1 =	sld [smem:$0x3FAA]  }
0x28: {  	s2 =	sld [smem:$0x3FAB]  }
0x29: {  	s4 =	sld [smem:$0x3FAD]  }
0x2a: {  	p0 =	seq.s32 s5, $0x0;
	s5 =	sld [smem:$0x3FAE]  }
0x2b: {  	s6 =	sld [smem:$0x3FAF]  }
0x2c: {  	s7 =	sld [smem:$0x3FB0]  }
0x2d: {  	s3 =	simm.s32 $0x108;
	s8 =	sld [smem:$0x3FB1]  }
0x2e: {  	s3 =	simm.s32 @!p0 $0x1082;
	s9 =	sld [smem:$0x3FB2]  }
0x2f: {  	lr =	sadd.s32 s0, s3;
	s0 =	sld [smem:$0x3FA9]  }
0x30: {  	s3 =	sld [smem:$0x3FAC]  }
0x31: {  	[smem:$0x3FB5] =	sst s10  }
0x32: {  	s10 =	sld [smem:$0x3FB3];
	_ =	sdelay $0x3  }
0x33: {  	p0 =	seq.s32 s10, $0x1;
	s10 =	sld [smem:$0x3FB5];
	_ =	sdelay $0x3  }
0x34: {  	[smem:$0x3FB5] =	sst s10  }
0x35: {  	s10 =	sld [smem:$0x3FB4];
	_ =	sdelay $0x3  }
0x36: {  	p1 =	seq.s32 s10, $0x1;
	s10 =	sld [smem:$0x3FB5];
	_ =	sdelay $0x3  }
0x37: {  	[smem:$0x3FB5] =	sst s10  }
0x38: {  	s10 =	sld [smem:$0x3FB6]  }
0x39: {  	_ = 	snop;
	(pc) =	sbr.ind lr, $3  }
0x3a: {  	_ = 	snop  }
0x3b: {  	_ = 	snop  }
0x3c: {  	p2 =	seq.s32 s10, $0x1;
	s10 =	sld [smem:$0x3FB5]  }
0x3d: {  	_ =	shalt  }
0x3e: {  	_ =	shalt  }
0x3f: {  	_ =	shalt  }
0x40: {  	_ =	shalt  }
0x41: {  	_ =	shalt  }
0x42: {  	_ =	shalt  }
0x43: {  	_ =	shalt  }
0x44: {  	_ =	shalt  }
0x45: {  	_ =	shalt  }
0x46: {  	_ =	shalt  }
0x47: {  	_ =	shalt  }
0x48: {  	_ =	shalt  }
0x49: {  	_ =	shalt  }
0x4a: {  	_ =	shalt  }
0x4b: {  	_ =	shalt  }
0x4c: {  	_ =	shalt  }
0x4d: {  	_ =	shalt  }
0x4e: {  	_ =	shalt  }
0x4f: {  	_ =	shalt  }
0x50: {  	_ =	shalt  }
0x51: {  	_ =	shalt  }
0x52: {  	_ =	shalt  }
0x53: {  	_ =	shalt  }
0x54: {  	_ =	shalt  }
0x55: {  	_ =	shalt  }
0x56: {  	_ =	shalt  }
0x57: {  	_ =	shalt  }
0x58: {  	_ =	shalt  }
0x59: {  	_ =	shalt  }
0x5a: {  	_ =	shalt  }
0x5b: {  	_ =	shalt  }
0x5c: {  	_ =	shalt  }
0x5d: {  	_ =	shalt  }
0x5e: {  	_ =	shalt  }
0x5f: {  	_ =	shalt  }
0x60: {  	_ =	shalt  }
0x61: {  	_ =	shalt  }
0x62: {  	_ =	shalt  }
0x63: {  	_ =	shalt  }
0x64: {  	_ =	shalt  }
0x65: {  	_ =	shalt  }
0x66: {  	_ =	shalt  }
0x67: {  	_ =	shalt  }
0x68: {  	_ =	shalt  }
0x69: {  	_ =	shalt  }
0x6a: {  	_ =	shalt  }
0x6b: {  	_ =	shalt  }
0x6c: {  	_ =	shalt  }
0x6d: {  	_ =	shalt  }
0x6e: {  	_ =	shalt  }
0x6f: {  	_ =	shalt  }
0x70: {  	_ =	shalt  }
0x71: {  	_ =	shalt  }
0x72: {  	_ =	shalt  }
0x73: {  	_ =	shalt  }
0x74: {  	_ =	shalt  }
0x75: {  	_ =	shalt  }
0x76: {  	_ =	shalt  }
0x77: {  	_ =	shalt  }
0x78: {  	_ =	shalt  }
0x79: {  	_ =	shalt  }
0x7a: {  	_ =	shalt  }
0x7b: {  	_ =	shalt  }
0x7c: {  	_ =	shalt  }
0x7d: {  	_ =	shalt  }
0x7e: {  	_ =	shalt  }
0x7f: {  	_ =	shalt  }
0x80: {  	_ =	shalt  }
0x81: {  	_ =	shalt  }
0x82: {  	_ =	shalt  }
0x83: {  	_ =	shalt  }
0x84: {  	_ =	shalt  }
0x85: {  	_ =	shalt  }
0x86: {  	_ =	shalt  }
0x87: {  	_ =	shalt  }
.Lfunc_end0:
.L_simem_size_0:
called_computation_lowered:
.L_overlay_start_0:
0x88: {  	s2 =	sld [smem:$0x3FD9]  }
0x89: {  	s3 =	sld [smem:$0x3FFE];
	_ =	sdelay $0x1  }
0x8a: {  	s1 =	srdreg.scid  }
0x8b: {  	s0 =	sand.u32 $0x1, s1  }
0x8c: {  	s14 =	sshll.u32 s0, $0xA;
	s2 =	sadd.s32 s3, s2  }
0x8d: {  	s2 =	sadd.s32 s2, s14  }
0x8e: {  	[smem:$0x3FC1] =	sst s2  }
0x8f: {  	_ = 	snop  }
0x90: {  	s2 =	sld [smem:$0x3FD0];
	_ =	sdelay $0x2  }
0x91: {  	s15 =	simm.s32 $0xA;
	s4 =	simm.s32 $0x10  }
0x92: {  	[smem:s4], [sflag:s15] =	dma.local [hbm:s2], $0x1  }
0x93: {  	_ =	swait.eq [sflag:s15], $0x1  }
0x94: {  	[sflag:s15] =	ssyncset.done $0x0  }
0x95: {  	[sflag:s15] =	ssyncadd.s32 $0xFFFFFFFF  }
0x96: {  	s16 =	sld [smem:$0x11];
	(tm) =	ssettm $0x1  }
0x97: {  	s17 =	sld [smem:$0x3FFB];
	_ =	sdelay $0x3  }
0x98: {  	_ =	strace s17  }
0x99: {  	s3 =	sld [smem:$0x3FFC];
	_ =	sdelay $0x3  }
0x9a: {  	_ =	strace s3  }
0x9b: {  	s3 =	sld [smem:$0x3FFD];
	_ =	sdelay $0x3  }
0x9c: {  	_ =	strace s3  }
0x9d: {  	_ =	strace $0x8FFFFFFF  }
0x9e: {  	s18 =	sld [smem:$0x3FDB];
	_ =	sdelay $0x1  }
0x9f: {  	s19 =	simm.s32 $_scs_section_size  }
0xa0: {  	s5 =	simm.s32 $_size__tile_overlayer_lowered;
	s6 =	simm.s32 $_tile_overlayer_lowered  }
0xa1: {  	s22 =	simm.s32 $0x1BFF;
	s21 =	sshll.u32 s6, $0x1;
	s3 =	sadd.s32 s19, s18  }
0xa2: {  	s7 =	simm.s32 $0x0;
	s20 =	sshll.u32 s5, $0x1;
	s5 =	sadd.s32 s21, s3  }
0xa3: {  	[timem:s7], [sflag:s22] =	dma.local [hbm:s5], s20  }
0xa4: {  	_ =	swait.ge [sflag:s22], s20  }
0xa5: {  	s4 =	ssub.s32 $0x0, s20;
	[sflag:s22] =	ssyncset.done $0x0  }
0xa6: {  	[sflag:s22] =	ssyncadd.s32 s4;
	_ =	sdelay $0x1  }
0xa7: {  	s23 =	simm.s32 $0x1B8B  }
0xa8: {  	_ =	swait.ge [sflag:s23], $0x1  }
0xa9: {  	[sflag:s23] =	ssyncset.done $0x0  }
0xaa: {  	s25 =	simm.s32 $0x1B8E;
	s24 =	sld [smem:$0x3FFE];
	[sflag:s23] =	ssyncadd.s32 $0xFFFFFFFF  }
0xab: {  	s26 =	simm.s32 $execute0_lowered;
	[smem:$0x3FD2] =	sst s25  }
0xac: {  	s5 =	sshll.u32 s26, $0x1;
	_ =	strace $0x80000046;
	[dreg:$0x1] =	wrdreg $0xFFFFFFFF  }
0xad: {  	s28 =	simm.s32 $_size_execute0_lowered;
	s3 =	sadd.s32 s3, s5;
	[dreg:$0x0] =	wrdreg $0x0  }
0xae: {  	s5 =	sshll.u32 s28, $0x1;
	[dreg:$0x2] =	wrdreg s3  }
0xaf: {  	[dreg:$0x3] =	wrdreg s5  }
0xb0: {  	[dreg:$0x4] =	wrdreg $0xC0  }
0xb1: {  	_ =	task [dreg:s7], $0x5FFFF  }
0xb2: {  	[dreg:$0x1] =	wrdreg $0xFFFFFFFF  }
0xb3: {  	[dreg:$0x0] =	wrdreg $0x60  }
0xb4: {  	[dreg:$0x2] =	wrdreg s24  }
0xb5: {  	[dreg:$0x3] =	wrdreg s16  }
0xb6: {  	[dreg:$0x4] =	wrdreg $0x9  }
0xb7: {  	_ =	task.clear_ibuf [dreg:s7], $0x5FFFF;
	_ =	strace $0x90000046  }
0xb8: {  	s29 =	simm.s32 $0x9;
	_ =	strace $0x80000048  }
0xb9: {  	_ =	swait.ge [sflag:s29], $0x1  }
0xba: {  	[sflag:s29] =	ssyncadd.s32 $0xFFFFFFFF  }
0xbb: {  	_ =	strace $0x90000048  }
0xbc: {  	_ =	sfence  }
0xbd: {  	s30 =	sld [smem:$0x0];
	_ =	sdelay $0x2  }
0xbe: {  	s31 =	sshll.u32 s1, $0xD;
	s1 =	sshrl.u32 s1, $0x2  }
0xbf: {  	s3 =	sand.u32 $0x4000, s31;
	s1 =	sadd.s32 s1, s30  }
0xc0: {  	s0 =	sor.u32 s3, s0;
	s1 =	sshll.u32 s1, $0x11  }
0xc1: {  	s0 =	sor.u32 s1, s0  }
0xc2: {  	s0 =	sadd.s32 $0x8F2B, s0  }
0xc3: {  	[sflag:s0] =	ssyncadd.remote.s32 $0x1  }
0xc4: {  	_ =	sfence.sel $0xFFFF  }
0xc5: {  	[dreg:$0x0] =	wrdreg $0xFFFFFFFF;
	(pc) =	sbr.abs _section_cstart, $3  }
0xc6: {  	[dreg:$0x1] =	wrdreg $0xFFFFFFFF  }
0xc7: {  	_ =	task.clear_ibuf [dreg:s7], $0x2FFFF;
	_ =	strace $0x9FFFFFFF  }
0xc8: {  	(tm) =	ssettm $0x7FFFFFFF  }
0xc9: {  	_ =	shalt  }
tec
execute0_lowered:
.L_overlay_start_1:
0x0: {  	(tag) =	ssettag $0x1  }
0x1: {  	s0 =	srdreg.scid  }
0x2: {  	s4 =	sand.u32 $0x1, s0;
	s0 =	stileid.u32  }
0x3: {  	s5 =	sor.u32 s0, s4  }
0x4: {  	p0 =	sne.s32 s5, $0x0  }
.Ltmp0:
0x5: {  	_ = 	snop;
	(pc) =	sbr.rel @p0 .LBB2_5-.Ltmp0, $4  }
0x6: {  	_ = 	snop  }
0x7: {  	s3 =	rddreg [dreg:$0x0]  }
0x8: {  	s2 =	rddreg [dreg:$0x1]  }
0x9: {  	s1 =	rddreg [dreg:$0x2];
	_ =	strace $0x80000047  }
0xa: {  	v0 =	vimm.f32 $1.500000000e+01  }
0xb: {  	vm14 =	vcmask $0x300;
	vm13 =	vcmask $0x704;
	vm12 =	vcmask $0xB08  }
0xc: {  	vm11 =	vcmask $0xF0C;
	vm10 =	vcmask $0x1310;
	vm9 =	vcmask $0x1714  }
0xd: {  	vm8 =	vcmask $0x1B18;
	vm7 =	vcmask $0x1F1C;
	vm6 =	vcmask $0x2320  }
0xe: {  	vm5 =	vcmask $0x2724;
	vm4 =	vcmask $0x2B28;
	vm3 =	vcmask $0x2F2C  }
0xf: {  	vm2 =	vcmask $0x3330;
	vm1 =	vcmask $0x3734;
	vm0 =	vcmask $0x3B38  }
0x10: {  	v1 =	vimm.f32 $3.100000000e+01;
	v2 =	vimm.f32 $4.700000000e+01;
	v3 =	vimm.f32 $6.300000000e+01  }
0x11: {  	v0 =	vsel vm14, $0x0, v0;
	v1 =	vsel vm14, $0x41800000, v1;
	v2 =	vsel vm14, $0x42000000, v2  }
0x12: {  	v3 =	vsel vm14, $0x42400000, v3;
	v0 =	vsel vm13, $0x3F800000, v0;
	v1 =	vsel vm13, $0x41880000, v1  }
0x13: {  	v2 =	vsel vm13, $0x42040000, v2;
	v3 =	vsel vm13, $0x42440000, v3;
	v0 =	vsel vm12, $0x40000000, v0  }
0x14: {  	v1 =	vsel vm12, $0x41900000, v1;
	v2 =	vsel vm12, $0x42080000, v2;
	v3 =	vsel vm12, $0x42480000, v3  }
0x15: {  	v0 =	vsel vm11, $0x40400000, v0;
	v1 =	vsel vm11, $0x41980000, v1;
	v2 =	vsel vm11, $0x420C0000, v2  }
0x16: {  	v3 =	vsel vm11, $0x424C0000, v3;
	v0 =	vsel vm10, $0x40800000, v0;
	v1 =	vsel vm10, $0x41A00000, v1  }
0x17: {  	v2 =	vsel vm10, $0x42100000, v2;
	v3 =	vsel vm10, $0x42500000, v3;
	v0 =	vsel vm9, $0x40A00000, v0  }
0x18: {  	v1 =	vsel vm9, $0x41A80000, v1;
	v2 =	vsel vm9, $0x42140000, v2;
	v3 =	vsel vm9, $0x42540000, v3  }
0x19: {  	v0 =	vsel vm8, $0x40C00000, v0;
	v1 =	vsel vm8, $0x41B00000, v1;
	v2 =	vsel vm8, $0x42180000, v2  }
0x1a: {  	v3 =	vsel vm8, $0x42580000, v3;
	v0 =	vsel vm7, $0x40E00000, v0;
	v1 =	vsel vm7, $0x41B80000, v1  }
0x1b: {  	v2 =	vsel vm7, $0x421C0000, v2;
	v3 =	vsel vm7, $0x425C0000, v3;
	v0 =	vsel vm6, $0x41000000, v0  }
0x1c: {  	v1 =	vsel vm6, $0x41C00000, v1;
	v2 =	vsel vm6, $0x42200000, v2;
	v3 =	vsel vm6, $0x42600000, v3  }
0x1d: {  	v0 =	vsel vm5, $0x41100000, v0;
	v1 =	vsel vm5, $0x41C80000, v1;
	v2 =	vsel vm5, $0x42240000, v2  }
0x1e: {  	v3 =	vsel vm5, $0x42640000, v3;
	v0 =	vsel vm4, $0x41200000, v0;
	v1 =	vsel vm4, $0x41D00000, v1  }
0x1f: {  	v2 =	vsel vm4, $0x42280000, v2;
	v3 =	vsel vm4, $0x42680000, v3;
	v0 =	vsel vm3, $0x41300000, v0  }
0x20: {  	v1 =	vsel vm3, $0x41D80000, v1;
	v2 =	vsel vm3, $0x422C0000, v2;
	v3 =	vsel vm3, $0x426C0000, v3  }
0x21: {  	v0 =	vsel vm2, $0x41400000, v0;
	v1 =	vsel vm2, $0x41E00000, v1;
	v2 =	vsel vm2, $0x42300000, v2  }
0x22: {  	s4 =	ssub.s32 $0x2, s4;
	s3 =	sadd.s32 $0x1600, s3;
	v3 =	vsel vm2, $0x42700000, v3;
	v0 =	vsel vm1, $0x41500000, v0;
	v1 =	vsel vm1, $0x41E80000, v1  }
0x23: {  	s6 =	simm.s32 $0x1;
	s7 =	simm.s32 $0x2000;
	s5 =	sshrl.u32 s4, $0x1;
	v2 =	vsel vm1, $0x42340000, v2;
	v3 =	vsel vm1, $0x42740000, v3;
	v0 =	vsel vm0, $0x41600000, v0  }
0x24: {  	s8 =	simm.s32 $0x0;
	s4 =	ssub.s32 s4, s5;
	s5 =	simm.s32 $0x0;
	v1 =	vsel vm0, $0x41F00000, v1;
	v2 =	vsel vm0, $0x42380000, v2;
	v3 =	vsel vm0, $0x42780000, v3  }
.LBB2_2:
0x25: {  	[tilespmem:s5], [sflag:$0x1] =	stream.linear.gather [hbm4b:s3+s5], $0x2000, $0x38;
	[tilespmem:$0x4000] =	vst v63  }
0x26: {  	_ =	swait.ge [sflag:s6], $0x2000  }
0x27: {  	[sflag:s6] =	ssyncset.done $0x0  }
0x28: {  	s10 =	simm.s32 $0x0;
	[sflag:s6] =	ssyncadd.s32 $0xFFFFE000  }
0x29: {  	v5 =	vld [tilespmem:s10+$0x0];
	_ =	sdelay $0x4  }
0x2a: {  	v6 =	vbroadcast v5, $0x1  }
0x2b: {  	s9 =	simm.s32 $0x80;
	v7 =	vbroadcast v5, $0x0  }
0x2c: {  	v4 =	vld [tilespmem:s9+$0x0];
	v8 =	vbroadcast v5, $0x3;
	v5 =	vbroadcast v5, $0x2;
	vm0 =	veq.f32 v6, v0  }
0x2d: {  	vm1 =	veq.f32 v6, v3;
	vm2 =	veq.f32 v6, v1;
	vm3 =	veq.f32 v7, v3  }
0x2e: {  	vm12 =	veq.f32 v6, v2;
	vm13 =	veq.f32 v7, v0;
	v9 =	vnsel vm1, $0x0, v8  }
0x2f: {  	vm14 =	veq.f32 v7, v1;
	v10 =	vnsel vm0, $0x0, v8;
	v6 =	vsel vm3, v5, v9  }
0x30: {  	vm15 =	veq.f32 v7, v2;
	v9 =	vnsel vm2, $0x0, v8;
	v10 =	vsel vm13, v5, v10;
	[tilespmem:s10+$0x2030] =	vst v6  }
0x31: {  	v8 =	vnsel vm12, $0x0, v8;
	v6 =	vbroadcast v4, $0x1;
	[tilespmem:s10+$0x2000] =	vst v10;
	v9 =	vsel vm14, v5, v9  }
0x32: {  	s11 =	simm.s32 $0x100;
	s12 =	simm.s32 $0x600;
	v7 =	vbroadcast v4, $0x3;
	v8 =	vsel vm15, v5, v8;
	v5 =	vbroadcast v4, $0x0;
	[tilespmem:s10+$0x2010] =	vst v9  }
.LBB2_3:
0x33: {  	p0 =	sne.s32 s12, $0x7E00;
	vm0 =	veq.f32 v6, v0;
	v9 =	vbroadcast v4, $0x2;
	v4 =	vld [tilespmem:s11+$0x0];
	vm1 =	veq.f32 v6, v3;
	[tilespmem:s10+$0x2020] =	vst v8;
	s10 =	smov.u32 s9;
	s9 =	smov.u32 s11  }
0x34: {  	vm2 =	veq.f32 v6, v1;
	vm3 =	veq.f32 v5, v3;
	v8 =	vnsel vm1, $0x0, v7  }
.Ltmp1:
0x35: {  	v10 =	vnsel vm0, $0x0, v7;
	vm0 =	veq.f32 v6, v2;
	v6 =	vsel vm3, v9, v8;
	(pc) =	sbr.rel @p0 .LBB2_3-.Ltmp1, $4  }
0x36: {  	vm1 =	veq.f32 v5, v0;
	v8 =	vnsel vm2, $0x0, v7;
	v7 =	vnsel vm0, $0x0, v7;
	[tilespmem:s10+$0x2030] =	vst v6  }
0x37: {  	v10 =	vsel vm1, v9, v10;
	vm0 =	veq.f32 v5, v1;
	vm1 =	veq.f32 v5, v2  }
0x38: {  	v6 =	vbroadcast v4, $0x1;
	[tilespmem:s10+$0x2000] =	vst v10;
	v10 =	vsel vm0, v9, v8;
	v8 =	vsel vm1, v9, v7  }
0x39: {  	s11 =	sshra.s32 s12, $0x2;
	s12 =	sadd.s32 $0x200, s12;
	v5 =	vbroadcast v4, $0x0;
	v7 =	vbroadcast v4, $0x3;
	[tilespmem:s10+$0x2010] =	vst v10  }
0x3a: {  	v9 =	vld [tilespmem:s11+$0x0];
	vm0 =	veq.f32 v6, v0;
	v4 =	vbroadcast v4, $0x2;
	vm1 =	veq.f32 v6, v3  }
0x3b: {  	vm2 =	veq.f32 v6, v1;
	vm4 =	veq.f32 v6, v2;
	vm3 =	veq.f32 v5, v3  }
0x3c: {  	v10 =	vnsel vm1, $0x0, v7;
	v11 =	vnsel vm0, $0x0, v7;
	vm5 =	veq.f32 v5, v0  }
0x3d: {  	v56 =	vnsel vm2, $0x0, v7;
	v57 =	vnsel vm4, $0x0, v7;
	vm6 =	veq.f32 v5, v1  }
0x3e: {  	vm7 =	veq.f32 v5, v2;
	v55 =	vsel vm3, v4, v10;
	v58 =	vsel vm5, v4, v11  }
0x3f: {  	[tilespmem:s10+$0x2020] =	vst v8;
	v10 =	vsel vm6, v4, v56;
	v5 =	vbroadcast v9, $0x1;
	v59 =	vbroadcast v9, $0x0  }
0x40: {  	v4 =	vsel vm7, v4, v57;
	[tilespmem:s9+$0x2030] =	vst v55;
	v60 =	vbroadcast v9, $0x3;
	v61 =	vbroadcast v9, $0x2  }
0x41: {  	[tilespmem:s9+$0x2000] =	vst v58;
	vm8 =	veq.f32 v5, v0;
	vm9 =	veq.f32 v5, v3;
	vm10 =	veq.f32 v5, v1  }
0x42: {  	[tilespmem:s9+$0x2010] =	vst v10;
	vm11 =	veq.f32 v59, v3;
	vm12 =	veq.f32 v5, v2;
	v62 =	vnsel vm9, $0x0, v60  }
0x43: {  	[tilespmem:s9+$0x2020] =	vst v4;
	vm13 =	veq.f32 v59, v0;
	v63 =	vnsel vm8, $0x0, v60;
	v4 =	vsel vm11, v61, v62  }
0x44: {  	vm14 =	veq.f32 v59, v1;
	v5 =	vnsel vm10, $0x0, v60;
	[tilespmem:s11+$0x2030] =	vst v4;
	v4 =	vsel vm13, v61, v63  }
0x45: {  	s8 =	sadd.s32 $0x1, s8;
	vm15 =	veq.f32 v59, v2;
	v7 =	vnsel vm12, $0x0, v60;
	[tilespmem:s11+$0x2000] =	vst v4;
	v4 =	vsel vm14, v61, v5  }
0x46: {  	p0 =	sne.s32 s8, s4;
	v5 =	vsel vm15, v61, v7;
	[tilespmem:s11+$0x2010] =	vst v4  }
.Ltmp2:
0x47: {  	[tilespmem:s11+$0x2020] =	vst v5;
	(pc) =	sbr.rel @p0 .LBB2_2-.Ltmp2, $4  }
0x48: {  	[hbm4b:s2+s5] =	stream.linear.scatter [tilespmem:s7], [sflag:$0x1], $0x2000, $0x38;
	[tilespmem:$0x4000] =	vst v63  }
0x49: {  	_ =	swait.ge [sflag:s6], $0x2000  }
0x4a: {  	[sflag:s6] =	ssyncset.done $0x0  }
0x4b: {  	[sflag:s6] =	ssyncadd.s32 $0xFFFFE000  }
.LBB2_5:
0x4c: {  	_ =	sfence.sel $0x180000  }
0x4d: {  	[bflag:$0x0] =	sbarrier.arrive $0xFFFF  }
0x4e: {  	p0 =	sne.s32 s0, $0x0;
	_ =	strace $0x90000047  }
0x4f: {  	s0 =	sadd.s32 @!p0 $0x100000, s1;
	[bflag:$0x2] =	sbarrier.arrive $0xFFFF  }
0x50: {  	[sflag:s0] =	ssyncadd.tile.s32 @!p0 $0x1;
	_ =	shalt  }
.Lfunc_end2:
_tile_overlayer_lowered:
.L_overlay_start_2:
0x51: {  	(tag) =	ssettag $0x2  }
0x52: {  	s0 =	rddreg [dreg:$0x0];
	s2 =	stileid.u32  }
0x53: {  	s1 =	rddreg [dreg:$0x1];
	p0 =	sne.s32 s2, $0x0  }
0x54: {  	s3 =	rddreg [dreg:$0x2];
	[bflag:$0x3] =	sbarrier.arrive $0xFFFF;
	s2 =	simm.s32 @!p0 $0x1C01  }
0x55: {  	[timem:s3], [sflag:s2] =	dma.local @!p0 [hbm:s0], s1  }
0x56: {  	s0 =	simm.s32 @!p0 $0x1  }
0x57: {  	_ =	swait.ge @!p0 [sflag:s0], s1  }
0x58: {  	s1 =	ssub.s32 @!p0 $0x0, s1;
	[sflag:s0] =	ssyncset.done @!p0 $0x0  }
0x59: {  	[sflag:s0] =	ssyncadd.s32 @!p0 s1  }
0x5a: {  	[bflag:$0x3] =	sbarrier.arrive $0xFFFF  }
0x5b: {  	_ =	shalt  }

</sc_bundles>
